<compile_context>
chip_gen: v7x
topology: tpu7x:2x2x1
jax: 0.10.2.dev20260603
libtpu: 0.0.44.dev20260713+nightly
codegen_flags: <defaults>
</compile_context>

<pallas_src>
import functools
import math

import jax
import jax.numpy as jnp
from jax import lax
from jax.experimental import pallas as pl
from jax.experimental.pallas import tpu as pltpu
from jax.experimental.pallas import tpu_sc as plsc

D_MODEL = 64
NUM_HEADS = 8
DT = D_MODEL * NUM_HEADS
VOCAB = 130
PAD_IDX = VOCAB // 2
SCALE = math.sqrt(D_MODEL)

B = 512 * 512
NC, NS = 2, 16
NW = NC * NS
BPW = B // NW
K = 64
NSTEP = BPW // K


def _prep_body(tbl_ref, out_ref):
    rows = lax.broadcasted_iota(jnp.int32, (VOCAB, D_MODEL), 0)
    t = jnp.where(rows == PAD_IDX, 0.0, tbl_ref[...]) * SCALE
    out_ref[...] = jnp.concatenate([t] * NUM_HEADS, axis=1)


def _make_tiled_table(tbl):
    return pl.pallas_call(
        _prep_body,
        out_shape=jax.ShapeDtypeStruct((VOCAB, DT), jnp.float32),
    )(tbl)


_sc_mesh = plsc.VectorSubcoreMesh(core_axis_name="c", subcore_axis_name="s")


@functools.partial(
    pl.kernel,
    out_type=jax.ShapeDtypeStruct((B, DT), jnp.float32),
    mesh=_sc_mesh,
    scratch_types=[
        pltpu.VMEM((NSTEP, K), jnp.int32),
        pltpu.VMEM((K, DT), jnp.float32),
        pltpu.VMEM((K, DT), jnp.float32),
        pltpu.SemaphoreType.DMA,
        pltpu.SemaphoreType.DMA,
        pltpu.SemaphoreType.DMA,
        pltpu.SemaphoreType.DMA,
    ],
)
def _sc_lookup(tbl_hbm, idx_hbm, out_hbm, idx_v, buf0, buf1, g0, g1, s0, s1):
    wid = lax.axis_index("s") * NC + lax.axis_index("c")
    base = wid * BPW
    pltpu.sync_copy(idx_hbm.at[wid], idx_v)

    bufs = (buf0, buf1)
    gsems = (g0, g1)
    ssems = (s0, s1)

    def gather_start(j, s):
        pltpu.async_copy(tbl_hbm.at[idx_v.at[j]], bufs[s], gsems[s])

    def gather_wait(j, s):
        pltpu.make_async_copy(tbl_hbm.at[idx_v.at[j]], bufs[s], gsems[s]).wait()

    def put_start(j, s):
        pltpu.async_copy(bufs[s], out_hbm.at[pl.ds(base + j * K, K)], ssems[s])

    def put_wait(j, s):
        pltpu.make_async_copy(
            bufs[s], out_hbm.at[pl.ds(base + j * K, K)], ssems[s]
        ).wait()

    gather_start(0, 0)
    gather_start(1, 1)

    def pair(p, carry):
        j0 = p * 2
        for s in range(2):
            j = j0 + s
            gather_wait(j, s)
            put_start(j, s)

            @pl.when(j + 2 < NSTEP)
            def _():
                put_wait(j, s)
                gather_start(j + 2, s)

        return carry

    lax.fori_loop(0, NSTEP // 2, pair, 0)

    put_wait(NSTEP - 2, 0)
    put_wait(NSTEP - 1, 1)


def kernel(inputs, rel_emb_v_weight):
    tiled = _make_tiled_table(rel_emb_v_weight)
    idx = inputs.reshape(NW, NSTEP, K).astype(jnp.int32)
    out = _sc_lookup(tiled, idx)
    return out.reshape(1, 512, 512, DT)

# --- scband reference (transcript-rebuilt; emitter-appended) ---
"""Pipeline reference for scband-rel-embeddings-30992484007983 (READ-ONLY COPY).

The authoritative reference and input builder live on the scoring server;
editing this copy changes nothing except your own understanding.
"""

import jax, jax.numpy as jnp
import numpy as np
import math

D_MODEL = 64
NUM_HEADS = 8
K_WIN = 64
VOCAB = 2 * K_WIN + 2  # 130
PAD_IDX = VOCAB // 2   # 65 (padding_idx -> zero row, no grad)


def setup_inputs(seed: int = 0) -> dict:
    key = jax.random.key(seed)
    k1, k2 = jax.random.split(key)
    inputs = jax.random.randint(k1, (1, 512, 512), 0, VOCAB)
    rel_emb_v_weight = jax.random.normal(k2, (VOCAB, D_MODEL), dtype=jnp.float32) * 0.02
    return {"inputs": inputs, "rel_emb_v_weight": rel_emb_v_weight}


def reference(inputs, rel_emb_v_weight):
    # nn.Embedding with padding_idx: that row is zero and receives no gradient.
    tbl = rel_emb_v_weight.at[PAD_IDX].set(0.0)
    # rel_v = self.rel_emb_v(inputs) * sqrt(d_model)
    rel_v = jnp.take(tbl, inputs, axis=0) * math.sqrt(D_MODEL)
    # dropout(p=0.0) is identity
    # rel_v = rel_v.repeat(1, 1, 1, num_heads)  -> torch repeat == jnp.tile
    rel_v = jnp.tile(rel_v, (1, 1, 1, NUM_HEADS))
    return rel_v

if __name__ == "__main__":
    import jax
    _d = setup_inputs()
    print(jax.jit(kernel)(*tuple(_d.values())))

</pallas_src>

<mosaic_0001>
#map = affine_map<(d0, d1) -> (0, 0)>
#map1 = affine_map<(d0, d1) -> (0, 0, 0)>
module attributes {stable_mosaic.version = 14 : i64} {
  func.func @_sc_lookup(%arg0: i32, %arg1: i32, %arg2: memref<130x512xf32, #tpu.memory_space<hbm>>, %arg3: memref<32x128x64xi32, #tpu.memory_space<hbm>>, %arg4: memref<262144x512xf32, #tpu.memory_space<hbm>>, %arg5: memref<128x64xi32, #tpu.memory_space<vmem>>, %arg6: memref<64x512xf32, #tpu.memory_space<vmem>>, %arg7: memref<64x512xf32, #tpu.memory_space<vmem>>, %arg8: memref<!tpu.dma_semaphore, #tpu.memory_space<semaphore_mem>>, %arg9: memref<!tpu.dma_semaphore, #tpu.memory_space<semaphore_mem>>, %arg10: memref<!tpu.dma_semaphore, #tpu.memory_space<semaphore_mem>>, %arg11: memref<!tpu.dma_semaphore, #tpu.memory_space<semaphore_mem>>) attributes {dimension_semantics = [#tpu.dimension_semantics<core_parallel>, #tpu.dimension_semantics<subcore_parallel>], iteration_bounds = array<i64: 2, 16>, scalar_prefetch = 0 : i64, scratch_operands = 7 : i64, tpu.core_type = #tpu.core_type<sc_vector_subcore>, window_params = [{transform_indices = #map}, {transform_indices = #map1}, {transform_indices = #map}]} {
    %mul3A = arith.constant 2 : i32
    %mul3A_0 = arith.muli %arg1, %mul3A : i32
    %add3A = arith.addi %mul3A_0, %arg0 : i32
    %mul3A_1 = arith.constant 8192 : i32
    %mul3A_2 = arith.muli %add3A, %mul3A_1 : i32
    "tpu.region"() ({
      %run_scoped3A = tpu.sem_alloc : memref<!tpu.dma_semaphore, #tpu.memory_space<semaphore_mem>>
      %dma_start3A_32 = arith.constant 0 : i32
      %dma_start3A_33 = arith.constant 0 : i32
      %dma_start3A_34 = tpu.memref_slice %arg3[%add3A, %dma_start3A_32, %dma_start3A_33] : memref<32x128x64xi32, #tpu.memory_space<hbm>> -> memref<1x128x64xi32, #tpu.memory_space<hbm>>
      %dma_start3A_35 = tpu.memref_squeeze %dma_start3A_34 : memref<1x128x64xi32, #tpu.memory_space<hbm>> -> memref<128x64xi32, #tpu.memory_space<hbm>>
      %dma_start3A_36 = arith.constant 0 : i32
      %dma_start3A_37 = arith.constant 0 : i32
      %dma_start3A_38 = tpu.memref_slice %arg3[%add3A, %dma_start3A_36, %dma_start3A_37] : memref<32x128x64xi32, #tpu.memory_space<hbm>> -> memref<1x128x64xi32, #tpu.memory_space<hbm>>
      %dma_start3A_39 = tpu.memref_squeeze %dma_start3A_38 : memref<1x128x64xi32, #tpu.memory_space<hbm>> -> memref<128x64xi32, #tpu.memory_space<hbm>>
      tpu.enqueue_dma source(%dma_start3A_39 : memref<128x64xi32, #tpu.memory_space<hbm>>) target(%arg5 : memref<128x64xi32, #tpu.memory_space<vmem>>) target_semaphore(%run_scoped3A : memref<!tpu.dma_semaphore, #tpu.memory_space<semaphore_mem>>)
      %dma_wait3A_40 = arith.constant 0 : i32
      %dma_wait3A_41 = arith.constant 0 : i32
      %dma_wait3A_42 = tpu.memref_slice %arg3[%add3A, %dma_wait3A_40, %dma_wait3A_41] : memref<32x128x64xi32, #tpu.memory_space<hbm>> -> memref<1x128x64xi32, #tpu.memory_space<hbm>>
      %dma_wait3A_43 = tpu.memref_squeeze %dma_wait3A_42 : memref<1x128x64xi32, #tpu.memory_space<hbm>> -> memref<128x64xi32, #tpu.memory_space<hbm>>
      %dma_wait3A_44 = arith.constant 0 : i32
      %dma_wait3A_45 = arith.constant 0 : i32
      %dma_wait3A_46 = tpu.memref_slice %arg3[%add3A, %dma_wait3A_44, %dma_wait3A_45] : memref<32x128x64xi32, #tpu.memory_space<hbm>> -> memref<1x128x64xi32, #tpu.memory_space<hbm>>
      %dma_wait3A_47 = tpu.memref_squeeze %dma_wait3A_46 : memref<1x128x64xi32, #tpu.memory_space<hbm>> -> memref<128x64xi32, #tpu.memory_space<hbm>>
      tpu.wait_dma2 semaphore(%run_scoped3A : memref<!tpu.dma_semaphore, #tpu.memory_space<semaphore_mem>>) src(%dma_wait3A_47 : memref<128x64xi32, #tpu.memory_space<hbm>>) dst(%arg5 : memref<128x64xi32, #tpu.memory_space<vmem>>)
      tpu.yield
    }) : () -> ()
    %dma_start3A = arith.constant 0 : i32
    %dma_start3A_3 = arith.constant 0 : i32
    %dma_start3A_4 = tpu.memref_slice %arg5[%dma_start3A, %dma_start3A_3] : memref<128x64xi32, #tpu.memory_space<vmem>> -> memref<1x64xi32, #tpu.memory_space<vmem>>
    %dma_start3A_5 = tpu.memref_squeeze %dma_start3A_4 : memref<1x64xi32, #tpu.memory_space<vmem>> -> memref<64xi32, #tpu.memory_space<vmem>>
    %dma_start3A_6 = arith.constant 0 : i32
    %dma_start3A_7 = arith.constant 0 : i32
    %dma_start3A_8 = tpu.memref_slice %arg2[%dma_start3A_6, %dma_start3A_7] : memref<130x512xf32, #tpu.memory_space<hbm>> -> memref<130x512xf32, #tpu.memory_space<hbm>>
    tpu.enqueue_indirect_dma source(%dma_start3A_8 : memref<130x512xf32, #tpu.memory_space<hbm>>) target(%arg6 : memref<64x512xf32, #tpu.memory_space<vmem>>) offsets(%dma_start3A_5 : memref<64xi32, #tpu.memory_space<vmem>>) semaphore(%arg8 : memref<!tpu.dma_semaphore, #tpu.memory_space<semaphore_mem>>)
    %dma_start3A_9 = arith.constant 1 : i32
    %dma_start3A_10 = arith.constant 0 : i32
    %dma_start3A_11 = tpu.memref_slice %arg5[%dma_start3A_9, %dma_start3A_10] : memref<128x64xi32, #tpu.memory_space<vmem>> -> memref<1x64xi32, #tpu.memory_space<vmem>>
    %dma_start3A_12 = tpu.memref_squeeze %dma_start3A_11 : memref<1x64xi32, #tpu.memory_space<vmem>> -> memref<64xi32, #tpu.memory_space<vmem>>
    %dma_start3A_13 = arith.constant 0 : i32
    %dma_start3A_14 = arith.constant 0 : i32
    %dma_start3A_15 = tpu.memref_slice %arg2[%dma_start3A_13, %dma_start3A_14] : memref<130x512xf32, #tpu.memory_space<hbm>> -> memref<130x512xf32, #tpu.memory_space<hbm>>
    tpu.enqueue_indirect_dma source(%dma_start3A_15 : memref<130x512xf32, #tpu.memory_space<hbm>>) target(%arg7 : memref<64x512xf32, #tpu.memory_space<vmem>>) offsets(%dma_start3A_12 : memref<64xi32, #tpu.memory_space<vmem>>) semaphore(%arg9 : memref<!tpu.dma_semaphore, #tpu.memory_space<semaphore_mem>>)
    %scan3A = arith.constant 0 : i32
    %scan3A_16 = arith.constant 0 : i32
    %scan3A_17 = arith.constant 64 : i32
    %scan3A_18 = arith.addi %scan3A_16, %scan3A_17 : i32
    %scan3A_19 = arith.constant 1 : i32
    scf.for %scan3A_32 = %scan3A_16 to %scan3A_18 step %scan3A_19  : i32 {
      %mul3A_33 = arith.constant 2 : i32
      %mul3A_34 = arith.muli %scan3A_32, %mul3A_33 : i32
      %add3A_35 = arith.constant 0 : i32
      %add3A_36 = arith.addi %mul3A_34, %add3A_35 : i32
      %dma_wait3A_37 = arith.constant 0 : i32
      %dma_wait3A_38 = tpu.memref_slice %arg5[%add3A_36, %dma_wait3A_37] : memref<128x64xi32, #tpu.memory_space<vmem>> -> memref<1x64xi32, #tpu.memory_space<vmem>>
      %dma_wait3A_39 = tpu.memref_squeeze %dma_wait3A_38 : memref<1x64xi32, #tpu.memory_space<vmem>> -> memref<64xi32, #tpu.memory_space<vmem>>
      %dma_wait3A_40 = arith.constant 0 : i32
      %dma_wait3A_41 = arith.constant 0 : i32
      %dma_wait3A_42 = tpu.memref_slice %arg2[%dma_wait3A_40, %dma_wait3A_41] : memref<130x512xf32, #tpu.memory_space<hbm>> -> memref<130x512xf32, #tpu.memory_space<hbm>>
      tpu.wait_indirect_dma semaphore(%arg8 : memref<!tpu.dma_semaphore, #tpu.memory_space<semaphore_mem>>) src(%dma_wait3A_42 : memref<130x512xf32, #tpu.memory_space<hbm>>) dst(%arg6 : memref<64x512xf32, #tpu.memory_space<vmem>>)
      %mul3A_43 = arith.constant 64 : i32
      %mul3A_44 = arith.muli %add3A_36, %mul3A_43 : i32
      %add3A_45 = arith.addi %mul3A_2, %mul3A_44 : i32
      %dma_start3A_46 = arith.constant 0 : i32
      %dma_start3A_47 = tpu.memref_slice %arg4[%add3A_45, %dma_start3A_46] : memref<262144x512xf32, #tpu.memory_space<hbm>> -> memref<64x512xf32, #tpu.memory_space<hbm>>
      %dma_start3A_48 = arith.constant 0 : i32
      %dma_start3A_49 = tpu.memref_slice %arg4[%add3A_45, %dma_start3A_48] : memref<262144x512xf32, #tpu.memory_space<hbm>> -> memref<64x512xf32, #tpu.memory_space<hbm>>
      tpu.enqueue_dma source(%arg6 : memref<64x512xf32, #tpu.memory_space<vmem>>) target(%dma_start3A_49 : memref<64x512xf32, #tpu.memory_space<hbm>>) target_semaphore(%arg10 : memref<!tpu.dma_semaphore, #tpu.memory_space<semaphore_mem>>)
      %add3A_50 = arith.constant 2 : i32
      %add3A_51 = arith.addi %add3A_36, %add3A_50 : i32
      %lt3A = arith.constant 128 : i32
      %lt3A_52 = arith.cmpi slt, %add3A_51, %lt3A : i32
      %convert_element_type3A = arith.extui %lt3A_52 : i1 to i32
      %cond3A = arith.constant 0 : i32
      %cond3A_53 = arith.cmpi ne, %convert_element_type3A, %cond3A : i32
      scf.if %cond3A_53 {
        %mul3A_76 = arith.constant 64 : i32
        %mul3A_77 = arith.muli %add3A_36, %mul3A_76 : i32
        %add3A_78 = arith.addi %mul3A_2, %mul3A_77 : i32
        %dma_wait3A_79 = arith.constant 0 : i32
        %dma_wait3A_80 = tpu.memref_slice %arg4[%add3A_78, %dma_wait3A_79] : memref<262144x512xf32, #tpu.memory_space<hbm>> -> memref<64x512xf32, #tpu.memory_space<hbm>>
        %dma_wait3A_81 = arith.constant 0 : i32
        %dma_wait3A_82 = tpu.memref_slice %arg4[%add3A_78, %dma_wait3A_81] : memref<262144x512xf32, #tpu.memory_space<hbm>> -> memref<64x512xf32, #tpu.memory_space<hbm>>
        tpu.wait_dma2 semaphore(%arg10 : memref<!tpu.dma_semaphore, #tpu.memory_space<semaphore_mem>>) src(%arg6 : memref<64x512xf32, #tpu.memory_space<vmem>>) dst(%dma_wait3A_82 : memref<64x512xf32, #tpu.memory_space<hbm>>)
        %add3A_83 = arith.constant 2 : i32
        %add3A_84 = arith.addi %add3A_36, %add3A_83 : i32
        %dma_start3A_85 = arith.constant 0 : i32
        %dma_start3A_86 = tpu.memref_slice %arg5[%add3A_84, %dma_start3A_85] : memref<128x64xi32, #tpu.memory_space<vmem>> -> memref<1x64xi32, #tpu.memory_space<vmem>>
        %dma_start3A_87 = tpu.memref_squeeze %dma_start3A_86 : memref<1x64xi32, #tpu.memory_space<vmem>> -> memref<64xi32, #tpu.memory_space<vmem>>
        %dma_start3A_88 = arith.constant 0 : i32
        %dma_start3A_89 = arith.constant 0 : i32
        %dma_start3A_90 = tpu.memref_slice %arg2[%dma_start3A_88, %dma_start3A_89] : memref<130x512xf32, #tpu.memory_space<hbm>> -> memref<130x512xf32, #tpu.memory_space<hbm>>
        tpu.enqueue_indirect_dma source(%dma_start3A_90 : memref<130x512xf32, #tpu.memory_space<hbm>>) target(%arg6 : memref<64x512xf32, #tpu.memory_space<vmem>>) offsets(%dma_start3A_87 : memref<64xi32, #tpu.memory_space<vmem>>) semaphore(%arg8 : memref<!tpu.dma_semaphore, #tpu.memory_space<semaphore_mem>>)
      } else {
      }
      %add3A_54 = arith.constant 1 : i32
      %add3A_55 = arith.addi %mul3A_34, %add3A_54 : i32
      %dma_wait3A_56 = arith.constant 0 : i32
      %dma_wait3A_57 = tpu.memref_slice %arg5[%add3A_55, %dma_wait3A_56] : memref<128x64xi32, #tpu.memory_space<vmem>> -> memref<1x64xi32, #tpu.memory_space<vmem>>
      %dma_wait3A_58 = tpu.memref_squeeze %dma_wait3A_57 : memref<1x64xi32, #tpu.memory_space<vmem>> -> memref<64xi32, #tpu.memory_space<vmem>>
      %dma_wait3A_59 = arith.constant 0 : i32
      %dma_wait3A_60 = arith.constant 0 : i32
      %dma_wait3A_61 = tpu.memref_slice %arg2[%dma_wait3A_59, %dma_wait3A_60] : memref<130x512xf32, #tpu.memory_space<hbm>> -> memref<130x512xf32, #tpu.memory_space<hbm>>
      tpu.wait_indirect_dma semaphore(%arg9 : memref<!tpu.dma_semaphore, #tpu.memory_space<semaphore_mem>>) src(%dma_wait3A_61 : memref<130x512xf32, #tpu.memory_space<hbm>>) dst(%arg7 : memref<64x512xf32, #tpu.memory_space<vmem>>)
      %mul3A_62 = arith.constant 64 : i32
      %mul3A_63 = arith.muli %add3A_55, %mul3A_62 : i32
      %add3A_64 = arith.addi %mul3A_2, %mul3A_63 : i32
      %dma_start3A_65 = arith.constant 0 : i32
      %dma_start3A_66 = tpu.memref_slice %arg4[%add3A_64, %dma_start3A_65] : memref<262144x512xf32, #tpu.memory_space<hbm>> -> memref<64x512xf32, #tpu.memory_space<hbm>>
      %dma_start3A_67 = arith.constant 0 : i32
      %dma_start3A_68 = tpu.memref_slice %arg4[%add3A_64, %dma_start3A_67] : memref<262144x512xf32, #tpu.memory_space<hbm>> -> memref<64x512xf32, #tpu.memory_space<hbm>>
      tpu.enqueue_dma source(%arg7 : memref<64x512xf32, #tpu.memory_space<vmem>>) target(%dma_start3A_68 : memref<64x512xf32, #tpu.memory_space<hbm>>) target_semaphore(%arg11 : memref<!tpu.dma_semaphore, #tpu.memory_space<semaphore_mem>>)
      %add3A_69 = arith.constant 2 : i32
      %add3A_70 = arith.addi %add3A_55, %add3A_69 : i32
      %lt3A_71 = arith.constant 128 : i32
      %lt3A_72 = arith.cmpi slt, %add3A_70, %lt3A_71 : i32
      %convert_element_type3A_73 = arith.extui %lt3A_72 : i1 to i32
      %cond3A_74 = arith.constant 0 : i32
      %cond3A_75 = arith.cmpi ne, %convert_element_type3A_73, %cond3A_74 : i32
      scf.if %cond3A_75 {
        %mul3A_76 = arith.constant 64 : i32
        %mul3A_77 = arith.muli %add3A_55, %mul3A_76 : i32
        %add3A_78 = arith.addi %mul3A_2, %mul3A_77 : i32
        %dma_wait3A_79 = arith.constant 0 : i32
        %dma_wait3A_80 = tpu.memref_slice %arg4[%add3A_78, %dma_wait3A_79] : memref<262144x512xf32, #tpu.memory_space<hbm>> -> memref<64x512xf32, #tpu.memory_space<hbm>>
        %dma_wait3A_81 = arith.constant 0 : i32
        %dma_wait3A_82 = tpu.memref_slice %arg4[%add3A_78, %dma_wait3A_81] : memref<262144x512xf32, #tpu.memory_space<hbm>> -> memref<64x512xf32, #tpu.memory_space<hbm>>
        tpu.wait_dma2 semaphore(%arg11 : memref<!tpu.dma_semaphore, #tpu.memory_space<semaphore_mem>>) src(%arg7 : memref<64x512xf32, #tpu.memory_space<vmem>>) dst(%dma_wait3A_82 : memref<64x512xf32, #tpu.memory_space<hbm>>)
        %add3A_83 = arith.constant 2 : i32
        %add3A_84 = arith.addi %add3A_55, %add3A_83 : i32
        %dma_start3A_85 = arith.constant 0 : i32
        %dma_start3A_86 = tpu.memref_slice %arg5[%add3A_84, %dma_start3A_85] : memref<128x64xi32, #tpu.memory_space<vmem>> -> memref<1x64xi32, #tpu.memory_space<vmem>>
        %dma_start3A_87 = tpu.memref_squeeze %dma_start3A_86 : memref<1x64xi32, #tpu.memory_space<vmem>> -> memref<64xi32, #tpu.memory_space<vmem>>
        %dma_start3A_88 = arith.constant 0 : i32
        %dma_start3A_89 = arith.constant 0 : i32
        %dma_start3A_90 = tpu.memref_slice %arg2[%dma_start3A_88, %dma_start3A_89] : memref<130x512xf32, #tpu.memory_space<hbm>> -> memref<130x512xf32, #tpu.memory_space<hbm>>
        tpu.enqueue_indirect_dma source(%dma_start3A_90 : memref<130x512xf32, #tpu.memory_space<hbm>>) target(%arg7 : memref<64x512xf32, #tpu.memory_space<vmem>>) offsets(%dma_start3A_87 : memref<64xi32, #tpu.memory_space<vmem>>) semaphore(%arg9 : memref<!tpu.dma_semaphore, #tpu.memory_space<semaphore_mem>>)
      } else {
      }
    }
    %scan3A_20 = arith.constant 64 : i32
    %add3A_21 = arith.constant 8064 : i32
    %add3A_22 = arith.addi %mul3A_2, %add3A_21 : i32
    %dma_wait3A = arith.constant 0 : i32
    %dma_wait3A_23 = tpu.memref_slice %arg4[%add3A_22, %dma_wait3A] : memref<262144x512xf32, #tpu.memory_space<hbm>> -> memref<64x512xf32, #tpu.memory_space<hbm>>
    %dma_wait3A_24 = arith.constant 0 : i32
    %dma_wait3A_25 = tpu.memref_slice %arg4[%add3A_22, %dma_wait3A_24] : memref<262144x512xf32, #tpu.memory_space<hbm>> -> memref<64x512xf32, #tpu.memory_space<hbm>>
    tpu.wait_dma2 semaphore(%arg10 : memref<!tpu.dma_semaphore, #tpu.memory_space<semaphore_mem>>) src(%arg6 : memref<64x512xf32, #tpu.memory_space<vmem>>) dst(%dma_wait3A_25 : memref<64x512xf32, #tpu.memory_space<hbm>>)
    %add3A_26 = arith.constant 8128 : i32
    %add3A_27 = arith.addi %mul3A_2, %add3A_26 : i32
    %dma_wait3A_28 = arith.constant 0 : i32
    %dma_wait3A_29 = tpu.memref_slice %arg4[%add3A_27, %dma_wait3A_28] : memref<262144x512xf32, #tpu.memory_space<hbm>> -> memref<64x512xf32, #tpu.memory_space<hbm>>
    %dma_wait3A_30 = arith.constant 0 : i32
    %dma_wait3A_31 = tpu.memref_slice %arg4[%add3A_27, %dma_wait3A_30] : memref<262144x512xf32, #tpu.memory_space<hbm>> -> memref<64x512xf32, #tpu.memory_space<hbm>>
    tpu.wait_dma2 semaphore(%arg11 : memref<!tpu.dma_semaphore, #tpu.memory_space<semaphore_mem>>) src(%arg7 : memref<64x512xf32, #tpu.memory_space<vmem>>) dst(%dma_wait3A_31 : memref<64x512xf32, #tpu.memory_space<hbm>>)
    return
  }
}

module attributes {stable_mosaic.version = 14 : i64} {
  func.func @_prep_body(%arg0: memref<130x64xf32, #tpu.memory_space<vmem>>, %arg1: memref<130x512xf32, #tpu.memory_space<vmem>>) attributes {dimension_semantics = [], scalar_prefetch = 0 : i64, scratch_operands = 0 : i64, tpu.core_type = #tpu.core_type<tc>} {
    %iota3A = tpu.iota {dimensions = array<i32: 0>} : vector<130x64xi32>
    %eq3A = arith.constant 65 : i32
    %eq3A_0 = vector.broadcast %eq3A : i32 to vector<130x64xi32>
    %eq3A_1 = arith.cmpi eq, %iota3A, %eq3A_0 : vector<130x64xi32>
    %get3A = arith.constant 0 : index
    %get3A_2 = arith.constant 0 : index
    %get3A_3 = vector.load %arg0[%get3A, %get3A_2] : memref<130x64xf32, #tpu.memory_space<vmem>>, vector<130x64xf32>
    %jit3A = arith.constant 0.000000e+00 : f32
    %broadcast_in_dim3A = vector.broadcast %jit3A : f32 to vector<130x64xf32>
    %select_n3A = arith.select %eq3A_1, %broadcast_in_dim3A, %get3A_3 : vector<130x64xi1>, vector<130x64xf32>
    %mul3A = arith.constant 8.000000e+00 : f32
    %mul3A_4 = vector.broadcast %mul3A : f32 to vector<130x64xf32>
    %mul3A_5 = arith.mulf %select_n3A, %mul3A_4 : vector<130x64xf32>
    %concatenate3A = tpu.concatenate %mul3A_5, %mul3A_5, %mul3A_5, %mul3A_5, %mul3A_5, %mul3A_5, %mul3A_5, %mul3A_5 in 1 : vector<130x64xf32>, vector<130x64xf32>, vector<130x64xf32>, vector<130x64xf32>, vector<130x64xf32>, vector<130x64xf32>, vector<130x64xf32>, vector<130x64xf32> -> vector<130x512xf32>
    %swap3A = arith.constant 0 : index
    %swap3A_6 = arith.constant 0 : index
    %swap3A_7 = vector.load %arg1[%swap3A, %swap3A_6] : memref<130x512xf32, #tpu.memory_space<vmem>>, vector<130x512xf32>
    tpu.vector_store %arg1[%swap3A, %swap3A_6], %concatenate3A {strides = array<i32>} : memref<130x512xf32, #tpu.memory_space<vmem>>, vector<130x512xf32>,
    return
  }
}

</mosaic_0001>

<sc_bundles>
// kernel: kernel.4.cloned.1.call-start
scs
__scs_entry_jumppad:
0x0: {  	(pc) =	sbr.rel $0x88, $3  }
0x1: {  	(tag) =	ssettag $0x0;
	lr =	simm.s32 $0x1  }
0x2: {  	[smem:$0x3F9F] =	sst lr;
	_ =	strace $0xD0000000  }
0x3: {  	_ = 	snop  }
0x4: {  	_ = 	snop  }
0x5: {  	_ = 	snop  }
0x6: {  	_ = 	snop  }
0x7: {  	_ = 	snop  }
__scs_overlays_trampoline_lowered:
0x8: {  	[smem:$0x3FAE] =	sst s0  }
0x9: {  	[smem:$0x3FAF] =	sst s1  }
0xa: {  	[smem:$0x3FB0] =	sst s2  }
0xb: {  	[smem:$0x3FB1] =	sst s3  }
0xc: {  	[smem:$0x3FB2] =	sst s4  }
0xd: {  	[smem:$0x3FB3] =	sst s5  }
0xe: {  	[smem:$0x3FB4] =	sst s6  }
0xf: {  	[smem:$0x3FB5] =	sst s7  }
0x10: {  	[smem:$0x3FB6] =	sst s8  }
0x11: {  	[smem:$0x3FB7] =	sst s9;
	s0 =	simm.s32 @!p0 $0x0  }
0x12: {  	s1 =	sld [smem:$0x3F9D];
	s0 =	simm.s32 @p0 $0x1  }
0x13: {  	[smem:$0x3FB8] =	sst s0;
	s0 =	simm.s32 @!p1 $0x0  }
0x14: {  	s2 =	sld [smem:$0x3F9C];
	s0 =	simm.s32 @p1 $0x1  }
0x15: {  	[smem:$0x3FB9] =	sst s0;
	s0 =	simm.s32 @!p2 $0x0  }
0x16: {  	s3 =	sld [smem:$0x3FDB];
	s0 =	simm.s32 @p2 $0x1  }
0x17: {  	s4 =	simm.s32 $0x1BF5;
	[smem:$0x3FBB] =	sst s0  }
0x18: {  	s0 =	sld [smem:$0x3F9E];
	_ =	swait.ge [sflag:s4], $0x0  }
0x19: {  	s7 =	sld [smem:$0x3F9F]  }
0x1a: {  	s8 =	sadd.s32 $0xFFFFE003, lr  }
0x1b: {  	s9 =	sadd.s32 $0xFFFFFEF7, lr;
	s5 =	simm.s32 $0xFFFFFFFF;
	p2 =	slt.u32 s8, $0xFFFFF086  }
0x1c: {  	p1 =	slt.u32 s9, $0xF7A;
	s5 =	simm.s32 @!p2 $0x0  }
0x1d: {  	s5 =	simm.s32 @p1 $0x1;
	p0 =	seq.s32 s7, s2  }
0x1e: {  	s7 =	smul.u32 @!p0 $0xF7A, s2;
	p2 =	seq.s32 @!p0 s5, $0x0  }
0x1f: {  	s9 =	smul.u32 $0xF7A, s1;
	s8 =	simm.s32 @!p0 $0x1BF5;
	p2 =	por !p2, p0  }
0x20: {  	[sflag:s8] =	ssyncset.s32 @!p0 $0xFFFFF086;
	s6 =	sadd.s32 @!p0 s3, s7;
	s7 =	simm.s32 @!p0 $0x108  }
0x21: {  	s3 =	sadd.s32 s3, s9;
	s6 =	sadd.s32 @!p0 $0x88, s6;
	s7 =	simm.s32 @p2 $0x1082  }
0x22: {  	[simem:s7], [sflag:s8] =	dma.local @!p0 [hbm:s6], $0xF7A  }
0x23: {  	s9 =	sor.u32 $0xD0000000, s2;
	s6 =	simm.s32 $0x108;
	_ =	swait.ge @!p0 [sflag:s8], $0x0  }
0x24: {  	s3 =	sadd.s32 $0x88, s3;
	s6 =	simm.s32 @!p1 $0x1082;
	[sflag:s4] =	ssyncset.s32 $0xFFFFF086  }
0x25: {  	[simem:s6], [sflag:s4] =	dma.local [hbm:s3], $0xF7A  }
0x26: {  	[smem:$0x3F9F] =	sst s1;
	(tag) =	ssettag s2;
	_ =	strace s9  }
0x27: {  	s1 =	sld [smem:$0x3FAF]  }
0x28: {  	s2 =	sld [smem:$0x3FB0]  }
0x29: {  	s4 =	sld [smem:$0x3FB2]  }
0x2a: {  	p0 =	seq.s32 s5, $0x0;
	s5 =	sld [smem:$0x3FB3]  }
0x2b: {  	s6 =	sld [smem:$0x3FB4]  }
0x2c: {  	s7 =	sld [smem:$0x3FB5]  }
0x2d: {  	s3 =	simm.s32 $0x108;
	s8 =	sld [smem:$0x3FB6]  }
0x2e: {  	s3 =	simm.s32 @!p0 $0x1082;
	s9 =	sld [smem:$0x3FB7]  }
0x2f: {  	lr =	sadd.s32 s0, s3;
	s0 =	sld [smem:$0x3FAE]  }
0x30: {  	s3 =	sld [smem:$0x3FB1]  }
0x31: {  	[smem:$0x3FBA] =	sst s10  }
0x32: {  	s10 =	sld [smem:$0x3FB8];
	_ =	sdelay $0x3  }
0x33: {  	p0 =	seq.s32 s10, $0x1;
	s10 =	sld [smem:$0x3FBA];
	_ =	sdelay $0x3  }
0x34: {  	[smem:$0x3FBA] =	sst s10  }
0x35: {  	s10 =	sld [smem:$0x3FB9];
	_ =	sdelay $0x3  }
0x36: {  	p1 =	seq.s32 s10, $0x1;
	s10 =	sld [smem:$0x3FBA];
	_ =	sdelay $0x3  }
0x37: {  	[smem:$0x3FBA] =	sst s10  }
0x38: {  	s10 =	sld [smem:$0x3FBB]  }
0x39: {  	_ = 	snop;
	(pc) =	sbr.ind lr, $3  }
0x3a: {  	_ = 	snop  }
0x3b: {  	_ = 	snop  }
0x3c: {  	p2 =	seq.s32 s10, $0x1;
	s10 =	sld [smem:$0x3FBA]  }
0x3d: {  	_ =	shalt  }
0x3e: {  	_ =	shalt  }
0x3f: {  	_ =	shalt  }
0x40: {  	_ =	shalt  }
0x41: {  	_ =	shalt  }
0x42: {  	_ =	shalt  }
0x43: {  	_ =	shalt  }
0x44: {  	_ =	shalt  }
0x45: {  	_ =	shalt  }
0x46: {  	_ =	shalt  }
0x47: {  	_ =	shalt  }
0x48: {  	_ =	shalt  }
0x49: {  	_ =	shalt  }
0x4a: {  	_ =	shalt  }
0x4b: {  	_ =	shalt  }
0x4c: {  	_ =	shalt  }
0x4d: {  	_ =	shalt  }
0x4e: {  	_ =	shalt  }
0x4f: {  	_ =	shalt  }
0x50: {  	_ =	shalt  }
0x51: {  	_ =	shalt  }
0x52: {  	_ =	shalt  }
0x53: {  	_ =	shalt  }
0x54: {  	_ =	shalt  }
0x55: {  	_ =	shalt  }
0x56: {  	_ =	shalt  }
0x57: {  	_ =	shalt  }
0x58: {  	_ =	shalt  }
0x59: {  	_ =	shalt  }
0x5a: {  	_ =	shalt  }
0x5b: {  	_ =	shalt  }
0x5c: {  	_ =	shalt  }
0x5d: {  	_ =	shalt  }
0x5e: {  	_ =	shalt  }
0x5f: {  	_ =	shalt  }
0x60: {  	_ =	shalt  }
0x61: {  	_ =	shalt  }
0x62: {  	_ =	shalt  }
0x63: {  	_ =	shalt  }
0x64: {  	_ =	shalt  }
0x65: {  	_ =	shalt  }
0x66: {  	_ =	shalt  }
0x67: {  	_ =	shalt  }
0x68: {  	_ =	shalt  }
0x69: {  	_ =	shalt  }
0x6a: {  	_ =	shalt  }
0x6b: {  	_ =	shalt  }
0x6c: {  	_ =	shalt  }
0x6d: {  	_ =	shalt  }
0x6e: {  	_ =	shalt  }
0x6f: {  	_ =	shalt  }
0x70: {  	_ =	shalt  }
0x71: {  	_ =	shalt  }
0x72: {  	_ =	shalt  }
0x73: {  	_ =	shalt  }
0x74: {  	_ =	shalt  }
0x75: {  	_ =	shalt  }
0x76: {  	_ =	shalt  }
0x77: {  	_ =	shalt  }
0x78: {  	_ =	shalt  }
0x79: {  	_ =	shalt  }
0x7a: {  	_ =	shalt  }
0x7b: {  	_ =	shalt  }
0x7c: {  	_ =	shalt  }
0x7d: {  	_ =	shalt  }
0x7e: {  	_ =	shalt  }
0x7f: {  	_ =	shalt  }
0x80: {  	_ =	shalt  }
0x81: {  	_ =	shalt  }
0x82: {  	_ =	shalt  }
0x83: {  	_ =	shalt  }
0x84: {  	_ =	shalt  }
0x85: {  	_ =	shalt  }
0x86: {  	_ =	shalt  }
0x87: {  	_ =	shalt  }
.Lfunc_end0:
.L_simem_size_0:
called_computation_lowered:
.L_overlay_start_0:
0x88: {  	s2 =	sld [smem:$0x3FD9]  }
0x89: {  	s3 =	sld [smem:$0x3FFE];
	_ =	sdelay $0x1  }
0x8a: {  	s1 =	srdreg.scid  }
0x8b: {  	s0 =	sand.u32 $0x1, s1  }
0x8c: {  	s17 =	sshll.u32 s0, $0xA;
	s2 =	sadd.s32 s3, s2  }
0x8d: {  	s2 =	sadd.s32 s2, s17  }
0x8e: {  	[smem:$0x3FC6] =	sst s2  }
0x8f: {  	_ = 	snop  }
0x90: {  	s2 =	sld [smem:$0x3FD0];
	(tm) =	ssettm $0x1  }
0x91: {  	s18 =	sld [smem:$0x3FFB];
	_ =	sdelay $0x3  }
0x92: {  	_ =	strace s18  }
0x93: {  	s3 =	sld [smem:$0x3FFC];
	_ =	sdelay $0x3  }
0x94: {  	_ =	strace s3  }
0x95: {  	s3 =	sld [smem:$0x3FFD];
	_ =	sdelay $0x3  }
0x96: {  	_ =	strace s3  }
0x97: {  	_ =	strace $0x8FFFFFFF  }
0x98: {  	s19 =	sld [smem:$0x3FDB];
	_ =	sdelay $0x1  }
0x99: {  	s4 =	simm.s32 $_scs_section_size  }
0x9a: {  	s5 =	simm.s32 $_size__tile_overlayer_lowered;
	s6 =	simm.s32 $_tile_overlayer_lowered  }
0x9b: {  	s22 =	simm.s32 $0x1BFF;
	s21 =	sshll.u32 s6, $0x1;
	s3 =	sadd.s32 s4, s19  }
0x9c: {  	s7 =	simm.s32 $0x0;
	s20 =	sshll.u32 s5, $0x1;
	s5 =	sadd.s32 s21, s3  }
0x9d: {  	[timem:s7], [sflag:s22] =	dma.local [hbm:s5], s20  }
0x9e: {  	_ =	swait.ge [sflag:s22], s20  }
0x9f: {  	s4 =	ssub.s32 $0x0, s20;
	[sflag:s22] =	ssyncset.done $0x0  }
0xa0: {  	[sflag:s22] =	ssyncadd.s32 s4;
	_ =	sdelay $0x1  }
0xa1: {  	s23 =	simm.s32 $0x1B8B  }
0xa2: {  	_ =	swait.ge [sflag:s23], $0x1  }
0xa3: {  	[sflag:s23] =	ssyncset.done $0x0  }
0xa4: {  	s25 =	simm.s32 $0x1B8E;
	s24 =	sld [smem:$0x3FFE];
	[sflag:s23] =	ssyncadd.s32 $0xFFFFFFFF  }
0xa5: {  	s26 =	simm.s32 $execute0_lowered;
	[smem:$0x3FD2] =	sst s25  }
0xa6: {  	s5 =	sshll.u32 s26, $0x1;
	_ =	strace $0x80000046;
	[dreg:$0x1] =	wrdreg $0xFFFFFFFF  }
0xa7: {  	s28 =	simm.s32 $_size_execute0_lowered;
	s3 =	sadd.s32 s3, s5;
	[dreg:$0x0] =	wrdreg $0x0  }
0xa8: {  	s5 =	sshll.u32 s28, $0x1;
	[dreg:$0x2] =	wrdreg s3  }
0xa9: {  	[dreg:$0x3] =	wrdreg s5  }
0xaa: {  	[dreg:$0x4] =	wrdreg $0xC0  }
0xab: {  	_ =	task [dreg:s7], $0x5FFFF  }
0xac: {  	[dreg:$0x1] =	wrdreg $0xFFFFFFFF  }
0xad: {  	[dreg:$0x0] =	wrdreg $0x60  }
0xae: {  	[dreg:$0x2] =	wrdreg s24  }
0xaf: {  	[dreg:$0x3] =	wrdreg s2  }
0xb0: {  	[dreg:$0x4] =	wrdreg $0x9  }
0xb1: {  	_ =	task.clear_ibuf [dreg:s7], $0x5FFFF;
	_ =	strace $0x90000046  }
0xb2: {  	s29 =	simm.s32 $0x9;
	_ =	strace $0x80000048  }
0xb3: {  	_ =	swait.ge [sflag:s29], $0x1  }
0xb4: {  	[sflag:s29] =	ssyncadd.s32 $0xFFFFFFFF  }
0xb5: {  	_ =	strace $0x90000048  }
0xb6: {  	_ =	sfence  }
0xb7: {  	s30 =	sld [smem:$0x0];
	_ =	sdelay $0x2  }
0xb8: {  	s31 =	sshll.u32 s1, $0xD;
	s1 =	sshrl.u32 s1, $0x2  }
0xb9: {  	s3 =	sand.u32 $0x4000, s31;
	s1 =	sadd.s32 s1, s30  }
0xba: {  	s0 =	sor.u32 s3, s0;
	s1 =	sshll.u32 s1, $0x11  }
0xbb: {  	s0 =	sor.u32 s1, s0  }
0xbc: {  	s0 =	sadd.s32 $0x8F2B, s0  }
0xbd: {  	[sflag:s0] =	ssyncadd.remote.s32 $0x1  }
0xbe: {  	_ =	sfence.sel $0xFFFF  }
0xbf: {  	[dreg:$0x0] =	wrdreg $0xFFFFFFFF;
	(pc) =	sbr.abs _section_cstart, $3  }
0xc0: {  	[dreg:$0x1] =	wrdreg $0xFFFFFFFF  }
0xc1: {  	_ =	task.clear_ibuf [dreg:s7], $0x2FFFF;
	_ =	strace $0x9FFFFFFF  }
0xc2: {  	(tm) =	ssettm $0x7FFFFFFF  }
0xc3: {  	_ =	shalt  }
tec
execute0_lowered:
.L_overlay_start_1:
0x0: {  	(tag) =	ssettag $0x1  }
0x1: {  	s0 =	rddreg [dreg:$0x0]  }
0x2: {  	s1 =	rddreg [dreg:$0x1];
	s2 =	simm.s32 $0x0  }
0x3: {  	s3 =	srdreg.scid;
	s9 =	stileid.u32;
	s31 =	simm.s32 $0x4000  }
0x4: {  	s28 =	simm.s32 $0x7800;
	s29 =	simm.s32 $0x8000;
	s30 =	simm.s32 $0x8800  }
0x5: {  	s11 =	simm.s32 $0xD000;
	s12 =	simm.s32 $0xD800;
	s13 =	simm.s32 $0xE000  }
0x6: {  	s14 =	simm.s32 $0xE800;
	s10 =	simm.s32 $0xF000;
	s15 =	simm.s32 $0x1  }
0x7: {  	s16 =	simm.s32 $0x3;
	s17 =	simm.s32 $0x2;
	s18 =	simm.s32 $0x4  }
0x8: {  	[smem:$0x7FF] =	sst s2;
	s4 =	sand.u32 $0x1, s3;
	s19 =	sshll.u32 s9, $0x1  }
0x9: {  	s3 =	sadd.s32 $0x600, s0;
	s22 =	sshll.u32 s9, $0x14;
	s9 =	simm.s32 $0xC800  }
0xa: {  	_ =	strace $0x80000047;
	s5 =	sor.u32 s4, s19;
	s6 =	ssub.s32 $0x2, s4  }
0xb: {  	s24 =	sshll.u32 s4, $0x13;
	s4 =	simm.s32 $0xA000;
	s19 =	simm.s32 $0x0  }
0xc: {  	s7 =	sshll.u32 s5, $0xB;
	s8 =	sshrl.u32 s6, $0x1;
	s20 =	sshll.u32 s5, $0x13  }
0xd: {  	s5 =	sadd.s32 $0x700, s0;
	[dreg:$0x8] =	wrdreg s19;
	s7 =	sadd.s32 s7, s0  }
0xe: {  	s6 =	ssub.s32 s6, s8;
	s23 =	sadd.s32 s1, s20;
	s0 =	sadd.s32 s22, s1  }
0xf: {  	s22 =	simm.s32 $0x5000;
	s20 =	simm.s32 $0x5800;
	s1 =	simm.s32 $0x9800  }
0x10: {  	s8 =	simm.s32 $0xB000;
	s21 =	sadd.s32 $0x2800, s7;
	[dreg:$0x5] =	wrdreg s23  }
0x11: {  	s25 =	sadd.s32 $0x7F000, s23;
	s26 =	smax.u32 s6, $0x1;
	[dreg:$0x4] =	wrdreg s21  }
0x12: {  	s0 =	sadd.s32 s24, s0;
	s23 =	simm.s32 $0x6000;
	[dreg:$0x6] =	wrdreg s25  }
0x13: {  	v2 =	vlaneseq.u32;
	s24 =	simm.s32 $0x6800;
	s7 =	simm.s32 $0xA800;
	[dreg:$0x7] =	wrdreg s26  }
0x14: {  	vm0 =	vmmov $0xffff;
	v1 =	vshrl.u32 v2, $0x3;
	s6 =	simm.s32 $0xB800;
	[dreg:$0x3] =	wrdreg s0;
	s21 =	simm.s32 $0x4800  }
0x15: {  	v0 =	vand.u32 $0x7, v2;
	v2 =	vor.u32 $0x8, v2;
	v1 =	vmul.u32 $0x8, v1;
	s25 =	simm.s32 $0x7000;
	s26 =	simm.s32 $0x9000;
	s0 =	simm.s32 $0xC000  }
.LBB2_1:
0x16: {  	s19 =	rddreg [dreg:$0x4]  }
0x17: {  	[tilespmem:s2], [sflag:$0x5] =	stream.linear.gather [hbm4b:s19+s2], $0x4000, $0x38;
	[tilespmem:$0x14000] =	vst v63  }
0x18: {  	s19 =	simm.s32 $0x5  }
0x19: {  	_ =	swait.ge [sflag:s19], $0x4000  }
0x1a: {  	[sflag:s19] =	ssyncset.done $0x0  }
0x1b: {  	[sflag:s19] =	ssyncadd.s32 $0xFFFFC000  }
0x1c: {  	v3 =	vld [tilespmem:$0x0];
	_ =	sdelay $0x4  }
0x1d: {  	v4 =	vshll.u32 v3, $0x2  }
0x1e: {  	v3 =	vand.u32 $0x7, v3;
	v4 =	vand.u32 $0xFFFFFFE0, v4  }
0x1f: {  	v3 =	vor.u32 v3, v4  }
0x20: {  	v4 =	vperm.xlane v3, v0;
	_ =	sdelay $0x1  }
0x21: {  	v4 =	vadd.s32 v1, v4;
	_ =	sdelay $0x1  }
0x22: {  	v3 =	vperm.xlane v3, v2;
	_ =	sdelay $0x1  }
0x23: {  	v3 =	vadd.s32 v1, v3  }
0x24: {  	[tilespmem:s31], [sflag:$0x1] =	stream.indirect_vreg.gather [hbm4b:s3+s2], $0x80, v4, vm0, $0xb8;
	[tilespmem:$0x14000] =	vst v63  }
0x25: {  	_ = 	snop  }
0x26: {  	[tilespmem:s21], [sflag:$0x1] =	stream.indirect_vreg.gather [hbm4b:s5+s2], $0x80, v4, vm0, $0xb8;
	[tilespmem:$0x14000] =	vst v63  }
0x27: {  	_ = 	snop  }
0x28: {  	[tilespmem:s22], [sflag:$0x1] =	stream.indirect_vreg.gather [hbm4b:s3+s2], $0x80, v3, vm0, $0xb8;
	[tilespmem:$0x14000] =	vst v63  }
0x29: {  	_ = 	snop  }
0x2a: {  	[tilespmem:s20], [sflag:$0x1] =	stream.indirect_vreg.gather [hbm4b:s5+s2], $0x80, v3, vm0, $0xb8;
	[tilespmem:$0x14000] =	vst v63  }
0x2b: {  	v3 =	vld [tilespmem:$0x10];
	_ =	sdelay $0x4  }
0x2c: {  	v57 =	vshll.u32 v3, $0x2  }
0x2d: {  	v3 =	vand.u32 $0x7, v3;
	v4 =	vand.u32 $0xFFFFFFE0, v57  }
0x2e: {  	v3 =	vor.u32 v3, v4  }
0x2f: {  	v4 =	vperm.xlane v3, v0;
	_ =	sdelay $0x1  }
0x30: {  	v4 =	vadd.s32 v1, v4;
	_ =	sdelay $0x1  }
0x31: {  	v3 =	vperm.xlane v3, v2;
	_ =	sdelay $0x1  }
0x32: {  	v3 =	vadd.s32 v1, v3  }
0x33: {  	[tilespmem:s23], [sflag:$0x1] =	stream.indirect_vreg.gather [hbm4b:s3+s2], $0x80, v4, vm0, $0xb8;
	[tilespmem:$0x14000] =	vst v63  }
0x34: {  	_ = 	snop  }
0x35: {  	[tilespmem:s24], [sflag:$0x1] =	stream.indirect_vreg.gather [hbm4b:s5+s2], $0x80, v4, vm0, $0xb8;
	[tilespmem:$0x14000] =	vst v63  }
0x36: {  	_ = 	snop  }
0x37: {  	[tilespmem:s25], [sflag:$0x1] =	stream.indirect_vreg.gather [hbm4b:s3+s2], $0x80, v3, vm0, $0xb8;
	[tilespmem:$0x14000] =	vst v63  }
0x38: {  	_ = 	snop  }
0x39: {  	[tilespmem:s28], [sflag:$0x1] =	stream.indirect_vreg.gather [hbm4b:s5+s2], $0x80, v3, vm0, $0xb8;
	[tilespmem:$0x14000] =	vst v63  }
0x3a: {  	v3 =	vld [tilespmem:$0x20];
	_ =	sdelay $0x4  }
0x3b: {  	v58 =	vshll.u32 v3, $0x2  }
0x3c: {  	v3 =	vand.u32 $0x7, v3;
	v4 =	vand.u32 $0xFFFFFFE0, v58  }
0x3d: {  	v3 =	vor.u32 v3, v4  }
0x3e: {  	v4 =	vperm.xlane v3, v0;
	_ =	sdelay $0x1  }
0x3f: {  	v4 =	vadd.s32 v1, v4;
	_ =	sdelay $0x1  }
0x40: {  	v3 =	vperm.xlane v3, v2;
	_ =	sdelay $0x1  }
0x41: {  	v3 =	vadd.s32 v1, v3  }
0x42: {  	[tilespmem:s29], [sflag:$0x1] =	stream.indirect_vreg.gather [hbm4b:s3+s2], $0x80, v4, vm0, $0xb8;
	[tilespmem:$0x14000] =	vst v63  }
0x43: {  	_ = 	snop  }
0x44: {  	[tilespmem:s30], [sflag:$0x1] =	stream.indirect_vreg.gather [hbm4b:s5+s2], $0x80, v4, vm0, $0xb8;
	[tilespmem:$0x14000] =	vst v63  }
0x45: {  	_ = 	snop  }
0x46: {  	[tilespmem:s26], [sflag:$0x1] =	stream.indirect_vreg.gather [hbm4b:s3+s2], $0x80, v3, vm0, $0xb8;
	[tilespmem:$0x14000] =	vst v63  }
0x47: {  	_ = 	snop  }
0x48: {  	[tilespmem:s1], [sflag:$0x1] =	stream.indirect_vreg.gather [hbm4b:s5+s2], $0x80, v3, vm0, $0xb8;
	[tilespmem:$0x14000] =	vst v63  }
0x49: {  	v3 =	vld [tilespmem:$0x30];
	_ =	sdelay $0x4  }
0x4a: {  	v59 =	vshll.u32 v3, $0x2  }
0x4b: {  	v3 =	vand.u32 $0x7, v3;
	v4 =	vand.u32 $0xFFFFFFE0, v59  }
0x4c: {  	v3 =	vor.u32 v3, v4  }
0x4d: {  	v4 =	vperm.xlane v3, v0;
	_ =	sdelay $0x1  }
0x4e: {  	v4 =	vadd.s32 v1, v4;
	_ =	sdelay $0x1  }
0x4f: {  	v3 =	vperm.xlane v3, v2;
	_ =	sdelay $0x1  }
0x50: {  	v3 =	vadd.s32 v1, v3  }
0x51: {  	[tilespmem:s4], [sflag:$0x1] =	stream.indirect_vreg.gather [hbm4b:s3+s2], $0x80, v4, vm0, $0xb8;
	[tilespmem:$0x14000] =	vst v63  }
0x52: {  	_ = 	snop  }
0x53: {  	[tilespmem:s7], [sflag:$0x1] =	stream.indirect_vreg.gather [hbm4b:s5+s2], $0x80, v4, vm0, $0xb8;
	[tilespmem:$0x14000] =	vst v63  }
0x54: {  	_ = 	snop  }
0x55: {  	[tilespmem:s8], [sflag:$0x1] =	stream.indirect_vreg.gather [hbm4b:s3+s2], $0x80, v3, vm0, $0xb8;
	[tilespmem:$0x14000] =	vst v63  }
0x56: {  	_ = 	snop  }
0x57: {  	[tilespmem:s6], [sflag:$0x1] =	stream.indirect_vreg.gather [hbm4b:s5+s2], $0x80, v3, vm0, $0xb8;
	[tilespmem:$0x14000] =	vst v63  }
0x58: {  	v3 =	vld [tilespmem:$0x80];
	_ =	sdelay $0x4  }
0x59: {  	v60 =	vshll.u32 v3, $0x2  }
0x5a: {  	v3 =	vand.u32 $0x7, v3;
	v4 =	vand.u32 $0xFFFFFFE0, v60  }
0x5b: {  	v3 =	vor.u32 v3, v4  }
0x5c: {  	v4 =	vperm.xlane v3, v0;
	_ =	sdelay $0x1  }
0x5d: {  	v4 =	vadd.s32 v1, v4;
	_ =	sdelay $0x1  }
0x5e: {  	v3 =	vperm.xlane v3, v2;
	_ =	sdelay $0x1  }
0x5f: {  	v3 =	vadd.s32 v1, v3  }
0x60: {  	[tilespmem:s0], [sflag:$0x2] =	stream.indirect_vreg.gather [hbm4b:s3+s2], $0x80, v4, vm0, $0xb8;
	[tilespmem:$0x14000] =	vst v63  }
0x61: {  	_ = 	snop  }
0x62: {  	[tilespmem:s9], [sflag:$0x2] =	stream.indirect_vreg.gather [hbm4b:s5+s2], $0x80, v4, vm0, $0xb8;
	[tilespmem:$0x14000] =	vst v63  }
0x63: {  	_ = 	snop  }
0x64: {  	[tilespmem:s11], [sflag:$0x2] =	stream.indirect_vreg.gather [hbm4b:s3+s2], $0x80, v3, vm0, $0xb8;
	[tilespmem:$0x14000] =	vst v63  }
0x65: {  	_ = 	snop  }
0x66: {  	[tilespmem:s12], [sflag:$0x2] =	stream.indirect_vreg.gather [hbm4b:s5+s2], $0x80, v3, vm0, $0xb8;
	[tilespmem:$0x14000] =	vst v63  }
0x67: {  	v3 =	vld [tilespmem:$0x90];
	_ =	sdelay $0x4  }
0x68: {  	v61 =	vshll.u32 v3, $0x2  }
0x69: {  	v3 =	vand.u32 $0x7, v3;
	v4 =	vand.u32 $0xFFFFFFE0, v61  }
0x6a: {  	v3 =	vor.u32 v3, v4  }
0x6b: {  	v4 =	vperm.xlane v3, v0;
	_ =	sdelay $0x1  }
0x6c: {  	v4 =	vadd.s32 v1, v4;
	_ =	sdelay $0x1  }
0x6d: {  	v3 =	vperm.xlane v3, v2;
	_ =	sdelay $0x1  }
0x6e: {  	v3 =	vadd.s32 v1, v3  }
0x6f: {  	[tilespmem:s13], [sflag:$0x2] =	stream.indirect_vreg.gather [hbm4b:s3+s2], $0x80, v4, vm0, $0xb8;
	[tilespmem:$0x14000] =	vst v63  }
0x70: {  	_ = 	snop  }
0x71: {  	[tilespmem:s14], [sflag:$0x2] =	stream.indirect_vreg.gather [hbm4b:s5+s2], $0x80, v4, vm0, $0xb8;
	[tilespmem:$0x14000] =	vst v63  }
0x72: {  	_ = 	snop  }
0x73: {  	[tilespmem:s10], [sflag:$0x2] =	stream.indirect_vreg.gather [hbm4b:s3+s2], $0x80, v3, vm0, $0xb8;
	[tilespmem:$0x14000] =	vst v63  }
0x74: {  	s11 =	simm.s32 $0xF800  }
0x75: {  	[tilespmem:s11], [sflag:$0x2] =	stream.indirect_vreg.gather [hbm4b:s5+s2], $0x80, v3, vm0, $0xb8;
	[tilespmem:$0x14000] =	vst v63  }
0x76: {  	v3 =	vld [tilespmem:$0xA0];
	_ =	sdelay $0x4  }
0x77: {  	v62 =	vshll.u32 v3, $0x2  }
0x78: {  	v3 =	vand.u32 $0x7, v3;
	v4 =	vand.u32 $0xFFFFFFE0, v62  }
0x79: {  	v3 =	vor.u32 v3, v4  }
0x7a: {  	v4 =	vperm.xlane v3, v0;
	_ =	sdelay $0x1  }
0x7b: {  	v4 =	vadd.s32 v1, v4;
	_ =	sdelay $0x1  }
0x7c: {  	v3 =	vperm.xlane v3, v2;
	_ =	sdelay $0x1  }
0x7d: {  	s12 =	simm.s32 $0x10000;
	v3 =	vadd.s32 v1, v3  }
0x7e: {  	[tilespmem:s12], [sflag:$0x2] =	stream.indirect_vreg.gather [hbm4b:s3+s2], $0x80, v4, vm0, $0xb8;
	[tilespmem:$0x14000] =	vst v63  }
0x7f: {  	s13 =	simm.s32 $0x10800  }
0x80: {  	[tilespmem:s13], [sflag:$0x2] =	stream.indirect_vreg.gather [hbm4b:s5+s2], $0x80, v4, vm0, $0xb8;
	[tilespmem:$0x14000] =	vst v63  }
0x81: {  	s14 =	simm.s32 $0x11000  }
0x82: {  	[tilespmem:s14], [sflag:$0x2] =	stream.indirect_vreg.gather [hbm4b:s3+s2], $0x80, v3, vm0, $0xb8;
	[tilespmem:$0x14000] =	vst v63  }
0x83: {  	s19 =	simm.s32 $0x11800  }
0x84: {  	[tilespmem:s19], [sflag:$0x2] =	stream.indirect_vreg.gather [hbm4b:s5+s2], $0x80, v3, vm0, $0xb8;
	[tilespmem:$0x14000] =	vst v63  }
0x85: {  	v3 =	vld [tilespmem:$0xB0];
	_ =	sdelay $0x4  }
0x86: {  	v63 =	vshll.u32 v3, $0x2  }
0x87: {  	v3 =	vand.u32 $0x7, v3;
	v4 =	vand.u32 $0xFFFFFFE0, v63  }
0x88: {  	v3 =	vor.u32 v3, v4  }
0x89: {  	v4 =	vperm.xlane v3, v0;
	_ =	sdelay $0x1  }
0x8a: {  	v4 =	vadd.s32 v1, v4;
	_ =	sdelay $0x1  }
0x8b: {  	s20 =	simm.s32 $0x12000;
	v3 =	vperm.xlane v3, v2  }
0x8c: {  	s23 =	simm.s32 $0x12800;
	s24 =	simm.s32 $0x13000;
	s25 =	simm.s32 $0x13800  }
0x8d: {  	s28 =	simm.s32 $0x7000;
	s29 =	simm.s32 $0x7800;
	s30 =	simm.s32 $0x8000;
	v3 =	vadd.s32 v1, v3  }
0x8e: {  	[tilespmem:s20], [sflag:$0x2] =	stream.indirect_vreg.gather [hbm4b:s3+s2], $0x80, v4, vm0, $0xb8;
	[tilespmem:$0x14000] =	vst v63  }
0x8f: {  	s1 =	simm.s32 $0x9800;
	s4 =	simm.s32 $0xA000;
	s7 =	simm.s32 $0xA800  }
0x90: {  	[tilespmem:s23], [sflag:$0x2] =	stream.indirect_vreg.gather [hbm4b:s5+s2], $0x80, v4, vm0, $0xb8;
	[tilespmem:$0x14000] =	vst v63  }
0x91: {  	s8 =	simm.s32 $0xB000;
	s6 =	simm.s32 $0xB800;
	s9 =	simm.s32 $0xC800  }
0x92: {  	[tilespmem:s24], [sflag:$0x2] =	stream.indirect_vreg.gather [hbm4b:s3+s2], $0x80, v3, vm0, $0xb8;
	[tilespmem:$0x14000] =	vst v63  }
0x93: {  	s10 =	simm.s32 $0xF000;
	s11 =	simm.s32 $0xD000;
	s12 =	simm.s32 $0xD800  }
0x94: {  	[tilespmem:s25], [sflag:$0x2] =	stream.indirect_vreg.gather [hbm4b:s5+s2], $0x80, v3, vm0, $0xb8;
	[tilespmem:$0x14000] =	vst v63  }
0x95: {  	s13 =	simm.s32 $0xE000;
	s14 =	simm.s32 $0xE800;
	_ =	swait.ge [sflag:s15], $0x8000  }
0x96: {  	s19 =	simm.s32 $0xFFF82000;
	s20 =	simm.s32 $0x1B0;
	[sflag:s15] =	ssyncset.done $0x0  }
0x97: {  	s23 =	simm.s32 $0x5800;
	s26 =	rddreg [dreg:$0x5];
	[sflag:s15] =	ssyncadd.s32 $0xFFFF8000  }
0x98: {  	[hbm4b:s26+s2] =	stream.linear.scatter [tilespmem:s31], [sflag:$0x3], $0x8000, $0x38;
	[tilespmem:$0x14000] =	vst v63  }
0x99: {  	s25 =	simm.s32 $0x6800;
	s26 =	simm.s32 $0x4000;
	s31 =	simm.s32 $0x8800  }
.LBB2_2:
0x9a: {  	_ =	swait.ge [sflag:s16], $0x8000  }
0x9b: {  	[sflag:s16] =	ssyncset.done $0x0  }
0x9c: {  	[sflag:s16] =	ssyncadd.s32 $0xFFFF8000  }
0x9d: {  	v3 =	vld [tilespmem:s20+$0xFFFFFF50];
	_ =	sdelay $0x4  }
0x9e: {  	v4 =	vshll.u32 v3, $0x2  }
0x9f: {  	v3 =	vand.u32 $0x7, v3;
	v4 =	vand.u32 $0xFFFFFFE0, v4  }
0xa0: {  	v3 =	vor.u32 v3, v4  }
0xa1: {  	v4 =	vperm.xlane v3, v0;
	_ =	sdelay $0x1  }
0xa2: {  	v4 =	vadd.s32 v1, v4;
	_ =	sdelay $0x1  }
0xa3: {  	v3 =	vperm.xlane v3, v2;
	_ =	sdelay $0x1  }
0xa4: {  	v3 =	vadd.s32 v1, v3  }
0xa5: {  	[tilespmem:s26], [sflag:$0x1] =	stream.indirect_vreg.gather [hbm4b:s3+s2], $0x80, v4, vm0, $0xb8;
	[tilespmem:$0x14000] =	vst v63  }
0xa6: {  	_ = 	snop  }
0xa7: {  	[tilespmem:s21], [sflag:$0x1] =	stream.indirect_vreg.gather [hbm4b:s5+s2], $0x80, v4, vm0, $0xb8;
	[tilespmem:$0x14000] =	vst v63  }
0xa8: {  	_ = 	snop  }
0xa9: {  	[tilespmem:s22], [sflag:$0x1] =	stream.indirect_vreg.gather [hbm4b:s3+s2], $0x80, v3, vm0, $0xb8;
	[tilespmem:$0x14000] =	vst v63  }
0xaa: {  	_ = 	snop  }
0xab: {  	[tilespmem:s23], [sflag:$0x1] =	stream.indirect_vreg.gather [hbm4b:s5+s2], $0x80, v3, vm0, $0xb8;
	[tilespmem:$0x14000] =	vst v63  }
0xac: {  	v3 =	vld [tilespmem:s20+$0xFFFFFF60];
	_ =	sdelay $0x4  }
0xad: {  	v57 =	vshll.u32 v3, $0x2  }
0xae: {  	v3 =	vand.u32 $0x7, v3;
	v4 =	vand.u32 $0xFFFFFFE0, v57  }
0xaf: {  	v3 =	vor.u32 v3, v4  }
0xb0: {  	v4 =	vperm.xlane v3, v0;
	_ =	sdelay $0x1  }
0xb1: {  	v4 =	vadd.s32 v1, v4;
	_ =	sdelay $0x1  }
0xb2: {  	v3 =	vperm.xlane v3, v2;
	_ =	sdelay $0x1  }
0xb3: {  	s0 =	simm.s32 $0x6000;
	v3 =	vadd.s32 v1, v3  }
0xb4: {  	[tilespmem:s0], [sflag:$0x1] =	stream.indirect_vreg.gather [hbm4b:s3+s2], $0x80, v4, vm0, $0xb8;
	[tilespmem:$0x14000] =	vst v63  }
0xb5: {  	_ = 	snop  }
0xb6: {  	[tilespmem:s25], [sflag:$0x1] =	stream.indirect_vreg.gather [hbm4b:s5+s2], $0x80, v4, vm0, $0xb8;
	[tilespmem:$0x14000] =	vst v63  }
0xb7: {  	_ = 	snop  }
0xb8: {  	[tilespmem:s28], [sflag:$0x1] =	stream.indirect_vreg.gather [hbm4b:s3+s2], $0x80, v3, vm0, $0xb8;
	[tilespmem:$0x14000] =	vst v63  }
0xb9: {  	_ = 	snop  }
0xba: {  	[tilespmem:s29], [sflag:$0x1] =	stream.indirect_vreg.gather [hbm4b:s5+s2], $0x80, v3, vm0, $0xb8;
	[tilespmem:$0x14000] =	vst v63  }
0xbb: {  	v3 =	vld [tilespmem:s20+$0xFFFFFF70];
	_ =	sdelay $0x4  }
0xbc: {  	v58 =	vshll.u32 v3, $0x2  }
0xbd: {  	v3 =	vand.u32 $0x7, v3;
	v4 =	vand.u32 $0xFFFFFFE0, v58  }
0xbe: {  	v3 =	vor.u32 v3, v4  }
0xbf: {  	v4 =	vperm.xlane v3, v0;
	_ =	sdelay $0x1  }
0xc0: {  	v4 =	vadd.s32 v1, v4;
	_ =	sdelay $0x1  }
0xc1: {  	v3 =	vperm.xlane v3, v2;
	_ =	sdelay $0x1  }
0xc2: {  	v3 =	vadd.s32 v1, v3  }
0xc3: {  	[tilespmem:s30], [sflag:$0x1] =	stream.indirect_vreg.gather [hbm4b:s3+s2], $0x80, v4, vm0, $0xb8;
	[tilespmem:$0x14000] =	vst v63  }
0xc4: {  	_ = 	snop  }
0xc5: {  	[tilespmem:s31], [sflag:$0x1] =	stream.indirect_vreg.gather [hbm4b:s5+s2], $0x80, v4, vm0, $0xb8;
	[tilespmem:$0x14000] =	vst v63  }
0xc6: {  	s22 =	simm.s32 $0x9000  }
0xc7: {  	[tilespmem:s22], [sflag:$0x1] =	stream.indirect_vreg.gather [hbm4b:s3+s2], $0x80, v3, vm0, $0xb8;
	[tilespmem:$0x14000] =	vst v63  }
0xc8: {  	_ = 	snop  }
0xc9: {  	[tilespmem:s1], [sflag:$0x1] =	stream.indirect_vreg.gather [hbm4b:s5+s2], $0x80, v3, vm0, $0xb8;
	[tilespmem:$0x14000] =	vst v63  }
0xca: {  	v3 =	vld [tilespmem:s20+$0xFFFFFF80];
	_ =	sdelay $0x4  }
0xcb: {  	v59 =	vshll.u32 v3, $0x2  }
0xcc: {  	v3 =	vand.u32 $0x7, v3;
	v4 =	vand.u32 $0xFFFFFFE0, v59  }
0xcd: {  	v3 =	vor.u32 v3, v4  }
0xce: {  	v4 =	vperm.xlane v3, v0;
	_ =	sdelay $0x1  }
0xcf: {  	v4 =	vadd.s32 v1, v4;
	_ =	sdelay $0x1  }
0xd0: {  	v3 =	vperm.xlane v3, v2;
	_ =	sdelay $0x1  }
0xd1: {  	v3 =	vadd.s32 v1, v3  }
0xd2: {  	[tilespmem:s4], [sflag:$0x1] =	stream.indirect_vreg.gather [hbm4b:s3+s2], $0x80, v4, vm0, $0xb8;
	[tilespmem:$0x14000] =	vst v63  }
0xd3: {  	_ = 	snop  }
0xd4: {  	[tilespmem:s7], [sflag:$0x1] =	stream.indirect_vreg.gather [hbm4b:s5+s2], $0x80, v4, vm0, $0xb8;
	[tilespmem:$0x14000] =	vst v63  }
0xd5: {  	_ = 	snop  }
0xd6: {  	[tilespmem:s8], [sflag:$0x1] =	stream.indirect_vreg.gather [hbm4b:s3+s2], $0x80, v3, vm0, $0xb8;
	[tilespmem:$0x14000] =	vst v63  }
0xd7: {  	_ = 	snop  }
0xd8: {  	[tilespmem:s6], [sflag:$0x1] =	stream.indirect_vreg.gather [hbm4b:s5+s2], $0x80, v3, vm0, $0xb8;
	[tilespmem:$0x14000] =	vst v63  }
0xd9: {  	_ =	swait.ge [sflag:s17], $0x8000  }
0xda: {  	s24 =	rddreg [dreg:$0x3]  }
0xdb: {  	[sflag:s17] =	ssyncset.done $0x0;
	s21 =	sadd.s32 s19, s24  }
0xdc: {  	[sflag:s17] =	ssyncadd.s32 $0xFFFF8000;
	s24 =	simm.s32 $0xC000;
	s0 =	sadd.s32 $0x7F000, s21  }
0xdd: {  	[hbm4b:s0+s2] =	stream.linear.scatter [tilespmem:s24], [sflag:$0x4], $0x8000, $0x38;
	[tilespmem:$0x14000] =	vst v63  }
0xde: {  	_ =	swait.ge [sflag:s18], $0x8000  }
0xdf: {  	[sflag:s18] =	ssyncset.done $0x0  }
0xe0: {  	[sflag:s18] =	ssyncadd.s32 $0xFFFF8000  }
0xe1: {  	v3 =	vld [tilespmem:s20+$0xFFFFFFD0];
	_ =	sdelay $0x4  }
0xe2: {  	v60 =	vshll.u32 v3, $0x2  }
0xe3: {  	v3 =	vand.u32 $0x7, v3;
	v4 =	vand.u32 $0xFFFFFFE0, v60  }
0xe4: {  	v3 =	vor.u32 v3, v4  }
0xe5: {  	v4 =	vperm.xlane v3, v0;
	_ =	sdelay $0x1  }
0xe6: {  	v4 =	vadd.s32 v1, v4;
	_ =	sdelay $0x1  }
0xe7: {  	v3 =	vperm.xlane v3, v2;
	_ =	sdelay $0x1  }
0xe8: {  	v3 =	vadd.s32 v1, v3  }
0xe9: {  	[tilespmem:s24], [sflag:$0x2] =	stream.indirect_vreg.gather [hbm4b:s3+s2], $0x80, v4, vm0, $0xb8;
	[tilespmem:$0x14000] =	vst v63  }
0xea: {  	_ = 	snop  }
0xeb: {  	[tilespmem:s9], [sflag:$0x2] =	stream.indirect_vreg.gather [hbm4b:s5+s2], $0x80, v4, vm0, $0xb8;
	[tilespmem:$0x14000] =	vst v63  }
0xec: {  	_ = 	snop  }
0xed: {  	[tilespmem:s11], [sflag:$0x2] =	stream.indirect_vreg.gather [hbm4b:s3+s2], $0x80, v3, vm0, $0xb8;
	[tilespmem:$0x14000] =	vst v63  }
0xee: {  	_ = 	snop  }
0xef: {  	[tilespmem:s12], [sflag:$0x2] =	stream.indirect_vreg.gather [hbm4b:s5+s2], $0x80, v3, vm0, $0xb8;
	[tilespmem:$0x14000] =	vst v63  }
0xf0: {  	v3 =	vld [tilespmem:s20+$0xFFFFFFE0];
	_ =	sdelay $0x4  }
0xf1: {  	v61 =	vshll.u32 v3, $0x2  }
0xf2: {  	v3 =	vand.u32 $0x7, v3;
	v4 =	vand.u32 $0xFFFFFFE0, v61  }
0xf3: {  	v3 =	vor.u32 v3, v4  }
0xf4: {  	v4 =	vperm.xlane v3, v0;
	_ =	sdelay $0x1  }
0xf5: {  	v4 =	vadd.s32 v1, v4;
	_ =	sdelay $0x1  }
0xf6: {  	v3 =	vperm.xlane v3, v2;
	_ =	sdelay $0x1  }
0xf7: {  	v3 =	vadd.s32 v1, v3  }
0xf8: {  	[tilespmem:s13], [sflag:$0x2] =	stream.indirect_vreg.gather [hbm4b:s3+s2], $0x80, v4, vm0, $0xb8;
	[tilespmem:$0x14000] =	vst v63  }
0xf9: {  	_ = 	snop  }
0xfa: {  	[tilespmem:s14], [sflag:$0x2] =	stream.indirect_vreg.gather [hbm4b:s5+s2], $0x80, v4, vm0, $0xb8;
	[tilespmem:$0x14000] =	vst v63  }
0xfb: {  	_ = 	snop  }
0xfc: {  	[tilespmem:s10], [sflag:$0x2] =	stream.indirect_vreg.gather [hbm4b:s3+s2], $0x80, v3, vm0, $0xb8;
	[tilespmem:$0x14000] =	vst v63  }
0xfd: {  	s24 =	simm.s32 $0xF800  }
0xfe: {  	[tilespmem:s24], [sflag:$0x2] =	stream.indirect_vreg.gather [hbm4b:s5+s2], $0x80, v3, vm0, $0xb8;
	[tilespmem:$0x14000] =	vst v63  }
0xff: {  	v3 =	vld [tilespmem:s20+$0xFFFFFFF0];
	_ =	sdelay $0x4  }
0x100: {  	v62 =	vshll.u32 v3, $0x2  }
0x101: {  	v3 =	vand.u32 $0x7, v3;
	v4 =	vand.u32 $0xFFFFFFE0, v62  }
0x102: {  	v3 =	vor.u32 v3, v4  }
0x103: {  	v4 =	vperm.xlane v3, v0;
	_ =	sdelay $0x1  }
0x104: {  	v4 =	vadd.s32 v1, v4;
	_ =	sdelay $0x1  }
0x105: {  	v3 =	vperm.xlane v3, v2;
	_ =	sdelay $0x1  }
0x106: {  	s24 =	simm.s32 $0x10000;
	v3 =	vadd.s32 v1, v3  }
0x107: {  	[tilespmem:s24], [sflag:$0x2] =	stream.indirect_vreg.gather [hbm4b:s3+s2], $0x80, v4, vm0, $0xb8;
	[tilespmem:$0x14000] =	vst v63  }
0x108: {  	s24 =	simm.s32 $0x10800  }
0x109: {  	[tilespmem:s24], [sflag:$0x2] =	stream.indirect_vreg.gather [hbm4b:s5+s2], $0x80, v4, vm0, $0xb8;
	[tilespmem:$0x14000] =	vst v63  }
0x10a: {  	s24 =	simm.s32 $0x11000  }
0x10b: {  	[tilespmem:s24], [sflag:$0x2] =	stream.indirect_vreg.gather [hbm4b:s3+s2], $0x80, v3, vm0, $0xb8;
	[tilespmem:$0x14000] =	vst v63  }
0x10c: {  	s24 =	simm.s32 $0x11800  }
0x10d: {  	[tilespmem:s24], [sflag:$0x2] =	stream.indirect_vreg.gather [hbm4b:s5+s2], $0x80, v3, vm0, $0xb8;
	[tilespmem:$0x14000] =	vst v63  }
0x10e: {  	v3 =	vld [tilespmem:s20+$0x0];
	_ =	sdelay $0x4  }
0x10f: {  	v63 =	vshll.u32 v3, $0x2  }
0x110: {  	v3 =	vand.u32 $0x7, v3;
	v4 =	vand.u32 $0xFFFFFFE0, v63  }
0x111: {  	v3 =	vor.u32 v3, v4  }
0x112: {  	v4 =	vperm.xlane v3, v0;
	_ =	sdelay $0x1  }
0x113: {  	v4 =	vadd.s32 v1, v4;
	_ =	sdelay $0x1  }
0x114: {  	v3 =	vperm.xlane v3, v2;
	_ =	sdelay $0x1  }
0x115: {  	s24 =	simm.s32 $0x12000;
	v3 =	vadd.s32 v1, v3  }
0x116: {  	[tilespmem:s24], [sflag:$0x2] =	stream.indirect_vreg.gather [hbm4b:s3+s2], $0x80, v4, vm0, $0xb8;
	[tilespmem:$0x14000] =	vst v63  }
0x117: {  	s24 =	simm.s32 $0x12800  }
0x118: {  	[tilespmem:s24], [sflag:$0x2] =	stream.indirect_vreg.gather [hbm4b:s5+s2], $0x80, v4, vm0, $0xb8;
	[tilespmem:$0x14000] =	vst v63  }
0x119: {  	s24 =	simm.s32 $0x13000  }
0x11a: {  	[tilespmem:s24], [sflag:$0x2] =	stream.indirect_vreg.gather [hbm4b:s3+s2], $0x80, v3, vm0, $0xb8;
	[tilespmem:$0x14000] =	vst v63  }
0x11b: {  	p0 =	sne.s32 s19, $0xFFFFE000;
	s24 =	simm.s32 $0x13800  }
0x11c: {  	[tilespmem:s24], [sflag:$0x2] =	stream.indirect_vreg.gather [hbm4b:s5+s2], $0x80, v3, vm0, $0xb8;
	[tilespmem:$0x14000] =	vst v63  }
.Ltmp0:
0x11d: {  	_ =	swait.ge [sflag:s15], $0x8000;
	(pc) =	sbr.rel @p0 .LBB2_2-.Ltmp0, $4  }
0x11e: {  	s22 =	simm.s32 $0x5000;
	[sflag:s15] =	ssyncset.done $0x0  }
0x11f: {  	s19 =	sadd.s32 $0x2000, s19;
	s21 =	sadd.s32 $0x80000, s21;
	[sflag:s15] =	ssyncadd.s32 $0xFFFF8000  }
0x120: {  	[hbm4b:s21+s2] =	stream.linear.scatter [tilespmem:s26], [sflag:$0x3], $0x8000, $0x38;
	[tilespmem:$0x14000] =	vst v63  }
0x121: {  	s0 =	simm.s32 $0xC000;
	s20 =	sadd.s32 $0x100, s20;
	s21 =	simm.s32 $0x4800  }
0x122: {  	_ =	swait.ge [sflag:s17], $0x8000  }
0x123: {  	[sflag:s17] =	ssyncset.done $0x0  }
0x124: {  	s19 =	rddreg [dreg:$0x6];
	[sflag:s17] =	ssyncadd.s32 $0xFFFF8000  }
0x125: {  	[hbm4b:s19+s2] =	stream.linear.scatter [tilespmem:s0], [sflag:$0x4], $0x8000, $0x38;
	[tilespmem:$0x14000] =	vst v63  }
0x126: {  	_ =	swait.ge [sflag:s16], $0x8000  }
0x127: {  	[sflag:s16] =	ssyncset.done $0x0  }
0x128: {  	s20 =	simm.s32 $0x5800;
	s23 =	simm.s32 $0x6000;
	[sflag:s16] =	ssyncadd.s32 $0xFFFF8000  }
0x129: {  	s24 =	simm.s32 $0x6800;
	s25 =	simm.s32 $0x7000;
	_ =	swait.ge [sflag:s18], $0x8000  }
0x12a: {  	s28 =	simm.s32 $0x7800;
	s29 =	simm.s32 $0x8000;
	s1 =	rddreg [dreg:$0x8]  }
0x12b: {  	s30 =	simm.s32 $0x8800;
	s26 =	rddreg [dreg:$0x7];
	s1 =	sadd.s32 $0x1, s1  }
0x12c: {  	s4 =	simm.s32 $0xA000;
	s7 =	simm.s32 $0xA800;
	p0 =	sne.s32 s1, s26  }
.Ltmp1:
0x12d: {  	s8 =	simm.s32 $0xB000;
	s6 =	simm.s32 $0xB800;
	(pc) =	sbr.rel @p0 .LBB2_1-.Ltmp1, $4  }
0x12e: {  	s9 =	simm.s32 $0xC800;
	s11 =	simm.s32 $0xD000;
	s12 =	simm.s32 $0xD800  }
0x12f: {  	s13 =	simm.s32 $0xE000;
	s14 =	simm.s32 $0xE800;
	[sflag:s18] =	ssyncset.done $0x0  }
0x130: {  	s10 =	simm.s32 $0xF000;
	s31 =	simm.s32 $0x4000;
	[sflag:s18] =	ssyncadd.s32 $0xFFFF8000  }
0x131: {  	[dreg:$0x8] =	wrdreg s1;
	s26 =	simm.s32 $0x9000;
	s1 =	simm.s32 $0x9800  }
0x132: {  	_ =	sfence.sel $0x180000  }
0x133: {  	[bflag:$0x0] =	sbarrier.arrive $0xFFFF  }
0x134: {  	_ =	strace $0x90000047  }
0x135: {  	s0 =	stileid.u32;
	[bflag:$0x2] =	sbarrier.arrive $0xFFFF  }
0x136: {  	p0 =	sne.s32 s0, $0x0;
	s0 =	rddreg [dreg:$0x2]  }
0x137: {  	s0 =	sadd.s32 @!p0 $0x100000, s0  }
0x138: {  	[sflag:s0] =	ssyncadd.tile.s32 @!p0 $0x1;
	_ =	shalt  }
.Lfunc_end2:
_tile_overlayer_lowered:
.L_overlay_start_2:
0x139: {  	(tag) =	ssettag $0x2  }
0x13a: {  	s0 =	rddreg [dreg:$0x0];
	s2 =	stileid.u32  }
0x13b: {  	s1 =	rddreg [dreg:$0x1];
	p0 =	sne.s32 s2, $0x0  }
0x13c: {  	s3 =	rddreg [dreg:$0x2];
	[bflag:$0x3] =	sbarrier.arrive $0xFFFF;
	s2 =	simm.s32 @!p0 $0x1C05  }
0x13d: {  	[timem:s3], [sflag:s2] =	dma.local @!p0 [hbm:s0], s1  }
0x13e: {  	s0 =	simm.s32 @!p0 $0x5  }
0x13f: {  	_ =	swait.ge @!p0 [sflag:s0], s1  }
0x140: {  	s1 =	ssub.s32 @!p0 $0x0, s1;
	[sflag:s0] =	ssyncset.done @!p0 $0x0  }
0x141: {  	[sflag:s0] =	ssyncadd.s32 @!p0 s1  }
0x142: {  	[bflag:$0x3] =	sbarrier.arrive $0xFFFF  }
0x143: {  	_ =	shalt  }

</sc_bundles>
